<compile_context>
chip_gen: v7x
topology: tpu7x:2x2x1
jax: 0.10.2.dev20260603
libtpu: 0.0.44.dev20260713+nightly
codegen_flags: <defaults>
</compile_context>

<pallas_src>
import functools

import jax
import jax.numpy as jnp
from jax import lax
from jax.experimental import pallas as pl
from jax.experimental.pallas import tpu as pltpu
from jax.experimental.pallas import tpu_sc as plsc

_CHUNK = 64


@functools.lru_cache(maxsize=None)
def _make_gather(n_ids: int, vocab: int, hidden: int):
    info = plsc.get_sparse_core_info()
    nw = info.num_cores * info.num_subcores
    assert n_ids % (8 * nw) == 0
    per_w = n_ids // nw
    chunk = min(_CHUNK, per_w)
    n_chunks = per_w // chunk
    assert per_w % chunk == 0
    assert n_chunks >= 4 and n_chunks % 2 == 0

    mesh = plsc.VectorSubcoreMesh(core_axis_name="c", subcore_axis_name="s")

    @functools.partial(
        pl.kernel,
        mesh=mesh,
        out_type=jax.ShapeDtypeStruct((n_ids, hidden), jnp.float32),
        scratch_types=[
            pltpu.VMEM((per_w,), jnp.int32),
            pltpu.VMEM((chunk, hidden), jnp.float32),
            pltpu.VMEM((chunk, hidden), jnp.float32),
            pltpu.SemaphoreType.DMA,
            pltpu.SemaphoreType.DMA,
            pltpu.SemaphoreType.DMA,
            pltpu.SemaphoreType.DMA,
        ],
    )
    def gather_kernel(idx_hbm, table_hbm, out_hbm, idx_v, buf0, buf1,
                      sg0, sg1, so0, so1):
        wid = lax.axis_index("s") * info.num_cores + lax.axis_index("c")
        base = wid * per_w
        pltpu.sync_copy(idx_hbm.at[pl.ds(base, per_w)], idx_v)

        def g_copy(buf, sem, c):
            return pltpu.make_async_copy(
                table_hbm.at[idx_v.at[pl.ds(c * chunk, chunk)]], buf, sem)

        def o_copy(buf, sem, c):
            return pltpu.make_async_copy(
                buf, out_hbm.at[pl.ds(base + c * chunk, chunk)], sem)

        g_copy(buf0, sg0, 0).start()
        g_copy(buf1, sg1, 1).start()
        g_copy(buf0, sg0, 0).wait()
        o_copy(buf0, so0, 0).start()

        def body(k, carry):
            o_copy(buf0, so0, 2 * k).wait()
            g_copy(buf0, sg0, 2 * k + 2).start()
            g_copy(buf1, sg1, 2 * k + 1).wait()
            o_copy(buf1, so1, 2 * k + 1).start()
            o_copy(buf1, so1, 2 * k + 1).wait()
            g_copy(buf1, sg1, 2 * k + 3).start()
            g_copy(buf0, sg0, 2 * k + 2).wait()
            o_copy(buf0, so0, 2 * k + 2).start()
            return carry

        lax.fori_loop(0, (n_chunks - 2) // 2, body, 0)

        g_copy(buf1, sg1, n_chunks - 1).wait()
        o_copy(buf0, so0, n_chunks - 2).wait()
        o_copy(buf1, so1, n_chunks - 1).start()
        o_copy(buf1, so1, n_chunks - 1).wait()

    return gather_kernel


def kernel(position_ids, table):
    batch, seq = position_ids.shape
    vocab, hidden = table.shape
    ids = position_ids.reshape(-1).astype(jnp.int32)
    out = _make_gather(ids.shape[0], vocab, hidden)(ids, table)
    return out.reshape(batch, seq, hidden)

# --- scband reference (transcript-rebuilt; emitter-appended) ---
"""Pipeline reference for scband-position-embeddings-23081154249294 (READ-ONLY COPY).

The authoritative reference and input builder live on the scoring server;
editing this copy changes nothing except your own understanding.
"""

import jax, jax.numpy as jnp
import numpy as np

MAX_POS = 8192
HIDDEN = 768
BATCH = 4
SEQ = 8192

def setup_inputs(seed: int = 0) -> dict:
    key = jax.random.key(seed)
    k_ids, k_tab = jax.random.split(key)
    position_ids = jax.random.randint(k_ids, (BATCH, SEQ), 0, MAX_POS, dtype=jnp.int64 if jax.config.jax_enable_x64 else jnp.int32)
    table = jax.random.normal(k_tab, (MAX_POS, HIDDEN), dtype=jnp.float32)
    return {"position_ids": position_ids, "table": table}

def reference(position_ids, table):
    # PositionEmbeddings.forward: embedding lookup; dropout is identity in eval mode
    position_embeddings = jnp.take(table, position_ids, axis=0)
    return position_embeddings

if __name__ == "__main__":
    import jax
    _d = setup_inputs()
    print(jax.jit(kernel)(*tuple(_d.values())))

</pallas_src>

<mosaic_0001>
#map = affine_map<(d0, d1) -> (0)>
#map1 = affine_map<(d0, d1) -> (0, 0)>
module attributes {stable_mosaic.version = 14 : i64} {
  func.func @gather_kernel(%arg0: i32, %arg1: i32, %arg2: memref<32768xi32, #tpu.memory_space<hbm>>, %arg3: memref<8192x768xf32, #tpu.memory_space<hbm>>, %arg4: memref<32768x768xf32, #tpu.memory_space<hbm>>, %arg5: memref<1024xi32, #tpu.memory_space<vmem>>, %arg6: memref<64x768xf32, #tpu.memory_space<vmem>>, %arg7: memref<64x768xf32, #tpu.memory_space<vmem>>, %arg8: memref<!tpu.dma_semaphore, #tpu.memory_space<semaphore_mem>>, %arg9: memref<!tpu.dma_semaphore, #tpu.memory_space<semaphore_mem>>, %arg10: memref<!tpu.dma_semaphore, #tpu.memory_space<semaphore_mem>>, %arg11: memref<!tpu.dma_semaphore, #tpu.memory_space<semaphore_mem>>) attributes {dimension_semantics = [#tpu.dimension_semantics<core_parallel>, #tpu.dimension_semantics<subcore_parallel>], iteration_bounds = array<i64: 2, 16>, scalar_prefetch = 0 : i64, scratch_operands = 7 : i64, tpu.core_type = #tpu.core_type<sc_vector_subcore>, window_params = [{transform_indices = #map}, {transform_indices = #map1}, {transform_indices = #map1}]} {
    %mul3A = arith.constant 2 : i32
    %mul3A_0 = arith.muli %arg1, %mul3A : i32
    %add3A = arith.addi %mul3A_0, %arg0 : i32
    %mul3A_1 = arith.constant 1024 : i32
    %mul3A_2 = arith.muli %add3A, %mul3A_1 : i32
    "tpu.region"() ({
      %run_scoped3A = tpu.sem_alloc : memref<!tpu.dma_semaphore, #tpu.memory_space<semaphore_mem>>
      %dma_start3A_50 = tpu.memref_slice %arg2[%mul3A_2] : memref<32768xi32, #tpu.memory_space<hbm>> -> memref<1024xi32, #tpu.memory_space<hbm>>
      %dma_start3A_51 = tpu.memref_slice %arg2[%mul3A_2] : memref<32768xi32, #tpu.memory_space<hbm>> -> memref<1024xi32, #tpu.memory_space<hbm>>
      tpu.enqueue_dma source(%dma_start3A_51 : memref<1024xi32, #tpu.memory_space<hbm>>) target(%arg5 : memref<1024xi32, #tpu.memory_space<vmem>>) target_semaphore(%run_scoped3A : memref<!tpu.dma_semaphore, #tpu.memory_space<semaphore_mem>>)
      %dma_wait3A_52 = tpu.memref_slice %arg2[%mul3A_2] : memref<32768xi32, #tpu.memory_space<hbm>> -> memref<1024xi32, #tpu.memory_space<hbm>>
      %dma_wait3A_53 = tpu.memref_slice %arg2[%mul3A_2] : memref<32768xi32, #tpu.memory_space<hbm>> -> memref<1024xi32, #tpu.memory_space<hbm>>
      tpu.wait_dma2 semaphore(%run_scoped3A : memref<!tpu.dma_semaphore, #tpu.memory_space<semaphore_mem>>) src(%dma_wait3A_53 : memref<1024xi32, #tpu.memory_space<hbm>>) dst(%arg5 : memref<1024xi32, #tpu.memory_space<vmem>>)
      tpu.yield
    }) : () -> ()
    %dma_start3A = arith.constant 0 : i32
    %dma_start3A_3 = tpu.memref_slice %arg5[%dma_start3A] : memref<1024xi32, #tpu.memory_space<vmem>> -> memref<64xi32, #tpu.memory_space<vmem>>
    %dma_start3A_4 = arith.constant 0 : i32
    %dma_start3A_5 = arith.constant 0 : i32
    %dma_start3A_6 = tpu.memref_slice %arg3[%dma_start3A_4, %dma_start3A_5] : memref<8192x768xf32, #tpu.memory_space<hbm>> -> memref<8192x768xf32, #tpu.memory_space<hbm>>
    tpu.enqueue_indirect_dma source(%dma_start3A_6 : memref<8192x768xf32, #tpu.memory_space<hbm>>) target(%arg6 : memref<64x768xf32, #tpu.memory_space<vmem>>) offsets(%dma_start3A_3 : memref<64xi32, #tpu.memory_space<vmem>>) semaphore(%arg8 : memref<!tpu.dma_semaphore, #tpu.memory_space<semaphore_mem>>)
    %dma_start3A_7 = arith.constant 64 : i32
    %dma_start3A_8 = tpu.memref_slice %arg5[%dma_start3A_7] : memref<1024xi32, #tpu.memory_space<vmem>> -> memref<64xi32, #tpu.memory_space<vmem>>
    %dma_start3A_9 = arith.constant 0 : i32
    %dma_start3A_10 = arith.constant 0 : i32
    %dma_start3A_11 = tpu.memref_slice %arg3[%dma_start3A_9, %dma_start3A_10] : memref<8192x768xf32, #tpu.memory_space<hbm>> -> memref<8192x768xf32, #tpu.memory_space<hbm>>
    tpu.enqueue_indirect_dma source(%dma_start3A_11 : memref<8192x768xf32, #tpu.memory_space<hbm>>) target(%arg7 : memref<64x768xf32, #tpu.memory_space<vmem>>) offsets(%dma_start3A_8 : memref<64xi32, #tpu.memory_space<vmem>>) semaphore(%arg9 : memref<!tpu.dma_semaphore, #tpu.memory_space<semaphore_mem>>)
    %dma_wait3A = arith.constant 0 : i32
    %dma_wait3A_12 = tpu.memref_slice %arg5[%dma_wait3A] : memref<1024xi32, #tpu.memory_space<vmem>> -> memref<64xi32, #tpu.memory_space<vmem>>
    %dma_wait3A_13 = arith.constant 0 : i32
    %dma_wait3A_14 = arith.constant 0 : i32
    %dma_wait3A_15 = tpu.memref_slice %arg3[%dma_wait3A_13, %dma_wait3A_14] : memref<8192x768xf32, #tpu.memory_space<hbm>> -> memref<8192x768xf32, #tpu.memory_space<hbm>>
    tpu.wait_indirect_dma semaphore(%arg8 : memref<!tpu.dma_semaphore, #tpu.memory_space<semaphore_mem>>) src(%dma_wait3A_15 : memref<8192x768xf32, #tpu.memory_space<hbm>>) dst(%arg6 : memref<64x768xf32, #tpu.memory_space<vmem>>)
    %add3A_16 = arith.constant 0 : i32
    %add3A_17 = arith.addi %mul3A_2, %add3A_16 : i32
    %dma_start3A_18 = arith.constant 0 : i32
    %dma_start3A_19 = tpu.memref_slice %arg4[%add3A_17, %dma_start3A_18] : memref<32768x768xf32, #tpu.memory_space<hbm>> -> memref<64x768xf32, #tpu.memory_space<hbm>>
    %dma_start3A_20 = arith.constant 0 : i32
    %dma_start3A_21 = tpu.memref_slice %arg4[%add3A_17, %dma_start3A_20] : memref<32768x768xf32, #tpu.memory_space<hbm>> -> memref<64x768xf32, #tpu.memory_space<hbm>>
    tpu.enqueue_dma source(%arg6 : memref<64x768xf32, #tpu.memory_space<vmem>>) target(%dma_start3A_21 : memref<64x768xf32, #tpu.memory_space<hbm>>) target_semaphore(%arg10 : memref<!tpu.dma_semaphore, #tpu.memory_space<semaphore_mem>>)
    %scan3A = arith.constant 0 : i32
    %scan3A_22 = arith.constant 0 : i32
    %scan3A_23 = arith.constant 7 : i32
    %scan3A_24 = arith.addi %scan3A_22, %scan3A_23 : i32
    %scan3A_25 = arith.constant 1 : i32
    scf.for %scan3A_50 = %scan3A_22 to %scan3A_24 step %scan3A_25  : i32 {
      %mul3A_51 = arith.constant 2 : i32
      %mul3A_52 = arith.muli %mul3A_51, %scan3A_50 : i32
      %mul3A_53 = arith.constant 64 : i32
      %mul3A_54 = arith.muli %mul3A_52, %mul3A_53 : i32
      %add3A_55 = arith.addi %mul3A_2, %mul3A_54 : i32
      %dma_wait3A_56 = arith.constant 0 : i32
      %dma_wait3A_57 = tpu.memref_slice %arg4[%add3A_55, %dma_wait3A_56] : memref<32768x768xf32, #tpu.memory_space<hbm>> -> memref<64x768xf32, #tpu.memory_space<hbm>>
      %dma_wait3A_58 = arith.constant 0 : i32
      %dma_wait3A_59 = tpu.memref_slice %arg4[%add3A_55, %dma_wait3A_58] : memref<32768x768xf32, #tpu.memory_space<hbm>> -> memref<64x768xf32, #tpu.memory_space<hbm>>
      tpu.wait_dma2 semaphore(%arg10 : memref<!tpu.dma_semaphore, #tpu.memory_space<semaphore_mem>>) src(%arg6 : memref<64x768xf32, #tpu.memory_space<vmem>>) dst(%dma_wait3A_59 : memref<64x768xf32, #tpu.memory_space<hbm>>)
      %mul3A_60 = arith.constant 2 : i32
      %mul3A_61 = arith.muli %mul3A_60, %scan3A_50 : i32
      %add3A_62 = arith.constant 2 : i32
      %add3A_63 = arith.addi %mul3A_61, %add3A_62 : i32
      %mul3A_64 = arith.constant 64 : i32
      %mul3A_65 = arith.muli %add3A_63, %mul3A_64 : i32
      %dma_start3A_66 = tpu.memref_slice %arg5[%mul3A_65] : memref<1024xi32, #tpu.memory_space<vmem>> -> memref<64xi32, #tpu.memory_space<vmem>>
      %dma_start3A_67 = arith.constant 0 : i32
      %dma_start3A_68 = arith.constant 0 : i32
      %dma_start3A_69 = tpu.memref_slice %arg3[%dma_start3A_67, %dma_start3A_68] : memref<8192x768xf32, #tpu.memory_space<hbm>> -> memref<8192x768xf32, #tpu.memory_space<hbm>>
      tpu.enqueue_indirect_dma source(%dma_start3A_69 : memref<8192x768xf32, #tpu.memory_space<hbm>>) target(%arg6 : memref<64x768xf32, #tpu.memory_space<vmem>>) offsets(%dma_start3A_66 : memref<64xi32, #tpu.memory_space<vmem>>) semaphore(%arg8 : memref<!tpu.dma_semaphore, #tpu.memory_space<semaphore_mem>>)
      %mul3A_70 = arith.constant 2 : i32
      %mul3A_71 = arith.muli %mul3A_70, %scan3A_50 : i32
      %add3A_72 = arith.constant 1 : i32
      %add3A_73 = arith.addi %mul3A_71, %add3A_72 : i32
      %mul3A_74 = arith.constant 64 : i32
      %mul3A_75 = arith.muli %add3A_73, %mul3A_74 : i32
      %dma_wait3A_76 = tpu.memref_slice %arg5[%mul3A_75] : memref<1024xi32, #tpu.memory_space<vmem>> -> memref<64xi32, #tpu.memory_space<vmem>>
      %dma_wait3A_77 = arith.constant 0 : i32
      %dma_wait3A_78 = arith.constant 0 : i32
      %dma_wait3A_79 = tpu.memref_slice %arg3[%dma_wait3A_77, %dma_wait3A_78] : memref<8192x768xf32, #tpu.memory_space<hbm>> -> memref<8192x768xf32, #tpu.memory_space<hbm>>
      tpu.wait_indirect_dma semaphore(%arg9 : memref<!tpu.dma_semaphore, #tpu.memory_space<semaphore_mem>>) src(%dma_wait3A_79 : memref<8192x768xf32, #tpu.memory_space<hbm>>) dst(%arg7 : memref<64x768xf32, #tpu.memory_space<vmem>>)
      %mul3A_80 = arith.constant 2 : i32
      %mul3A_81 = arith.muli %mul3A_80, %scan3A_50 : i32
      %add3A_82 = arith.constant 1 : i32
      %add3A_83 = arith.addi %mul3A_81, %add3A_82 : i32
      %mul3A_84 = arith.constant 64 : i32
      %mul3A_85 = arith.muli %add3A_83, %mul3A_84 : i32
      %add3A_86 = arith.addi %mul3A_2, %mul3A_85 : i32
      %dma_start3A_87 = arith.constant 0 : i32
      %dma_start3A_88 = tpu.memref_slice %arg4[%add3A_86, %dma_start3A_87] : memref<32768x768xf32, #tpu.memory_space<hbm>> -> memref<64x768xf32, #tpu.memory_space<hbm>>
      %dma_start3A_89 = arith.constant 0 : i32
      %dma_start3A_90 = tpu.memref_slice %arg4[%add3A_86, %dma_start3A_89] : memref<32768x768xf32, #tpu.memory_space<hbm>> -> memref<64x768xf32, #tpu.memory_space<hbm>>
      tpu.enqueue_dma source(%arg7 : memref<64x768xf32, #tpu.memory_space<vmem>>) target(%dma_start3A_90 : memref<64x768xf32, #tpu.memory_space<hbm>>) target_semaphore(%arg11 : memref<!tpu.dma_semaphore, #tpu.memory_space<semaphore_mem>>)
      %mul3A_91 = arith.constant 2 : i32
      %mul3A_92 = arith.muli %mul3A_91, %scan3A_50 : i32
      %add3A_93 = arith.constant 1 : i32
      %add3A_94 = arith.addi %mul3A_92, %add3A_93 : i32
      %mul3A_95 = arith.constant 64 : i32
      %mul3A_96 = arith.muli %add3A_94, %mul3A_95 : i32
      %add3A_97 = arith.addi %mul3A_2, %mul3A_96 : i32
      %dma_wait3A_98 = arith.constant 0 : i32
      %dma_wait3A_99 = tpu.memref_slice %arg4[%add3A_97, %dma_wait3A_98] : memref<32768x768xf32, #tpu.memory_space<hbm>> -> memref<64x768xf32, #tpu.memory_space<hbm>>
      %dma_wait3A_100 = arith.constant 0 : i32
      %dma_wait3A_101 = tpu.memref_slice %arg4[%add3A_97, %dma_wait3A_100] : memref<32768x768xf32, #tpu.memory_space<hbm>> -> memref<64x768xf32, #tpu.memory_space<hbm>>
      tpu.wait_dma2 semaphore(%arg11 : memref<!tpu.dma_semaphore, #tpu.memory_space<semaphore_mem>>) src(%arg7 : memref<64x768xf32, #tpu.memory_space<vmem>>) dst(%dma_wait3A_101 : memref<64x768xf32, #tpu.memory_space<hbm>>)
      %mul3A_102 = arith.constant 2 : i32
      %mul3A_103 = arith.muli %mul3A_102, %scan3A_50 : i32
      %add3A_104 = arith.constant 3 : i32
      %add3A_105 = arith.addi %mul3A_103, %add3A_104 : i32
      %mul3A_106 = arith.constant 64 : i32
      %mul3A_107 = arith.muli %add3A_105, %mul3A_106 : i32
      %dma_start3A_108 = tpu.memref_slice %arg5[%mul3A_107] : memref<1024xi32, #tpu.memory_space<vmem>> -> memref<64xi32, #tpu.memory_space<vmem>>
      %dma_start3A_109 = arith.constant 0 : i32
      %dma_start3A_110 = arith.constant 0 : i32
      %dma_start3A_111 = tpu.memref_slice %arg3[%dma_start3A_109, %dma_start3A_110] : memref<8192x768xf32, #tpu.memory_space<hbm>> -> memref<8192x768xf32, #tpu.memory_space<hbm>>
      tpu.enqueue_indirect_dma source(%dma_start3A_111 : memref<8192x768xf32, #tpu.memory_space<hbm>>) target(%arg7 : memref<64x768xf32, #tpu.memory_space<vmem>>) offsets(%dma_start3A_108 : memref<64xi32, #tpu.memory_space<vmem>>) semaphore(%arg9 : memref<!tpu.dma_semaphore, #tpu.memory_space<semaphore_mem>>)
      %mul3A_112 = arith.constant 2 : i32
      %mul3A_113 = arith.muli %mul3A_112, %scan3A_50 : i32
      %add3A_114 = arith.constant 2 : i32
      %add3A_115 = arith.addi %mul3A_113, %add3A_114 : i32
      %mul3A_116 = arith.constant 64 : i32
      %mul3A_117 = arith.muli %add3A_115, %mul3A_116 : i32
      %dma_wait3A_118 = tpu.memref_slice %arg5[%mul3A_117] : memref<1024xi32, #tpu.memory_space<vmem>> -> memref<64xi32, #tpu.memory_space<vmem>>
      %dma_wait3A_119 = arith.constant 0 : i32
      %dma_wait3A_120 = arith.constant 0 : i32
      %dma_wait3A_121 = tpu.memref_slice %arg3[%dma_wait3A_119, %dma_wait3A_120] : memref<8192x768xf32, #tpu.memory_space<hbm>> -> memref<8192x768xf32, #tpu.memory_space<hbm>>
      tpu.wait_indirect_dma semaphore(%arg8 : memref<!tpu.dma_semaphore, #tpu.memory_space<semaphore_mem>>) src(%dma_wait3A_121 : memref<8192x768xf32, #tpu.memory_space<hbm>>) dst(%arg6 : memref<64x768xf32, #tpu.memory_space<vmem>>)
      %mul3A_122 = arith.constant 2 : i32
      %mul3A_123 = arith.muli %mul3A_122, %scan3A_50 : i32
      %add3A_124 = arith.constant 2 : i32
      %add3A_125 = arith.addi %mul3A_123, %add3A_124 : i32
      %mul3A_126 = arith.constant 64 : i32
      %mul3A_127 = arith.muli %add3A_125, %mul3A_126 : i32
      %add3A_128 = arith.addi %mul3A_2, %mul3A_127 : i32
      %dma_start3A_129 = arith.constant 0 : i32
      %dma_start3A_130 = tpu.memref_slice %arg4[%add3A_128, %dma_start3A_129] : memref<32768x768xf32, #tpu.memory_space<hbm>> -> memref<64x768xf32, #tpu.memory_space<hbm>>
      %dma_start3A_131 = arith.constant 0 : i32
      %dma_start3A_132 = tpu.memref_slice %arg4[%add3A_128, %dma_start3A_131] : memref<32768x768xf32, #tpu.memory_space<hbm>> -> memref<64x768xf32, #tpu.memory_space<hbm>>
      tpu.enqueue_dma source(%arg6 : memref<64x768xf32, #tpu.memory_space<vmem>>) target(%dma_start3A_132 : memref<64x768xf32, #tpu.memory_space<hbm>>) target_semaphore(%arg10 : memref<!tpu.dma_semaphore, #tpu.memory_space<semaphore_mem>>)
    }
    %scan3A_26 = arith.constant 7 : i32
    %dma_wait3A_27 = arith.constant 960 : i32
    %dma_wait3A_28 = tpu.memref_slice %arg5[%dma_wait3A_27] : memref<1024xi32, #tpu.memory_space<vmem>> -> memref<64xi32, #tpu.memory_space<vmem>>
    %dma_wait3A_29 = arith.constant 0 : i32
    %dma_wait3A_30 = arith.constant 0 : i32
    %dma_wait3A_31 = tpu.memref_slice %arg3[%dma_wait3A_29, %dma_wait3A_30] : memref<8192x768xf32, #tpu.memory_space<hbm>> -> memref<8192x768xf32, #tpu.memory_space<hbm>>
    tpu.wait_indirect_dma semaphore(%arg9 : memref<!tpu.dma_semaphore, #tpu.memory_space<semaphore_mem>>) src(%dma_wait3A_31 : memref<8192x768xf32, #tpu.memory_space<hbm>>) dst(%arg7 : memref<64x768xf32, #tpu.memory_space<vmem>>)
    %add3A_32 = arith.constant 896 : i32
    %add3A_33 = arith.addi %mul3A_2, %add3A_32 : i32
    %dma_wait3A_34 = arith.constant 0 : i32
    %dma_wait3A_35 = tpu.memref_slice %arg4[%add3A_33, %dma_wait3A_34] : memref<32768x768xf32, #tpu.memory_space<hbm>> -> memref<64x768xf32, #tpu.memory_space<hbm>>
    %dma_wait3A_36 = arith.constant 0 : i32
    %dma_wait3A_37 = tpu.memref_slice %arg4[%add3A_33, %dma_wait3A_36] : memref<32768x768xf32, #tpu.memory_space<hbm>> -> memref<64x768xf32, #tpu.memory_space<hbm>>
    tpu.wait_dma2 semaphore(%arg10 : memref<!tpu.dma_semaphore, #tpu.memory_space<semaphore_mem>>) src(%arg6 : memref<64x768xf32, #tpu.memory_space<vmem>>) dst(%dma_wait3A_37 : memref<64x768xf32, #tpu.memory_space<hbm>>)
    %add3A_38 = arith.constant 960 : i32
    %add3A_39 = arith.addi %mul3A_2, %add3A_38 : i32
    %dma_start3A_40 = arith.constant 0 : i32
    %dma_start3A_41 = tpu.memref_slice %arg4[%add3A_39, %dma_start3A_40] : memref<32768x768xf32, #tpu.memory_space<hbm>> -> memref<64x768xf32, #tpu.memory_space<hbm>>
    %dma_start3A_42 = arith.constant 0 : i32
    %dma_start3A_43 = tpu.memref_slice %arg4[%add3A_39, %dma_start3A_42] : memref<32768x768xf32, #tpu.memory_space<hbm>> -> memref<64x768xf32, #tpu.memory_space<hbm>>
    tpu.enqueue_dma source(%arg7 : memref<64x768xf32, #tpu.memory_space<vmem>>) target(%dma_start3A_43 : memref<64x768xf32, #tpu.memory_space<hbm>>) target_semaphore(%arg11 : memref<!tpu.dma_semaphore, #tpu.memory_space<semaphore_mem>>)
    %add3A_44 = arith.constant 960 : i32
    %add3A_45 = arith.addi %mul3A_2, %add3A_44 : i32
    %dma_wait3A_46 = arith.constant 0 : i32
    %dma_wait3A_47 = tpu.memref_slice %arg4[%add3A_45, %dma_wait3A_46] : memref<32768x768xf32, #tpu.memory_space<hbm>> -> memref<64x768xf32, #tpu.memory_space<hbm>>
    %dma_wait3A_48 = arith.constant 0 : i32
    %dma_wait3A_49 = tpu.memref_slice %arg4[%add3A_45, %dma_wait3A_48] : memref<32768x768xf32, #tpu.memory_space<hbm>> -> memref<64x768xf32, #tpu.memory_space<hbm>>
    tpu.wait_dma2 semaphore(%arg11 : memref<!tpu.dma_semaphore, #tpu.memory_space<semaphore_mem>>) src(%arg7 : memref<64x768xf32, #tpu.memory_space<vmem>>) dst(%dma_wait3A_49 : memref<64x768xf32, #tpu.memory_space<hbm>>)
    return
  }
}

</mosaic_0001>

<sc_bundles>
// kernel: kernel.3.cloned.1.call-start
scs
__scs_entry_jumppad:
0x0: {  	(pc) =	sbr.rel $0x88, $3  }
0x1: {  	(tag) =	ssettag $0x0;
	lr =	simm.s32 $0x1  }
0x2: {  	[smem:$0x3F9F] =	sst lr;
	_ =	strace $0xD0000000  }
0x3: {  	_ = 	snop  }
0x4: {  	_ = 	snop  }
0x5: {  	_ = 	snop  }
0x6: {  	_ = 	snop  }
0x7: {  	_ = 	snop  }
__scs_overlays_trampoline_lowered:
0x8: {  	[smem:$0x3FAE] =	sst s0  }
0x9: {  	[smem:$0x3FAF] =	sst s1  }
0xa: {  	[smem:$0x3FB0] =	sst s2  }
0xb: {  	[smem:$0x3FB1] =	sst s3  }
0xc: {  	[smem:$0x3FB2] =	sst s4  }
0xd: {  	[smem:$0x3FB3] =	sst s5  }
0xe: {  	[smem:$0x3FB4] =	sst s6  }
0xf: {  	[smem:$0x3FB5] =	sst s7  }
0x10: {  	[smem:$0x3FB6] =	sst s8  }
0x11: {  	[smem:$0x3FB7] =	sst s9;
	s0 =	simm.s32 @!p0 $0x0  }
0x12: {  	s1 =	sld [smem:$0x3F9D];
	s0 =	simm.s32 @p0 $0x1  }
0x13: {  	[smem:$0x3FB8] =	sst s0;
	s0 =	simm.s32 @!p1 $0x0  }
0x14: {  	s2 =	sld [smem:$0x3F9C];
	s0 =	simm.s32 @p1 $0x1  }
0x15: {  	[smem:$0x3FB9] =	sst s0;
	s0 =	simm.s32 @!p2 $0x0  }
0x16: {  	s3 =	sld [smem:$0x3FDB];
	s0 =	simm.s32 @p2 $0x1  }
0x17: {  	s4 =	simm.s32 $0x1BF5;
	[smem:$0x3FBB] =	sst s0  }
0x18: {  	s0 =	sld [smem:$0x3F9E];
	_ =	swait.ge [sflag:s4], $0x0  }
0x19: {  	s7 =	sld [smem:$0x3F9F]  }
0x1a: {  	s8 =	sadd.s32 $0xFFFFE003, lr  }
0x1b: {  	s9 =	sadd.s32 $0xFFFFFEF7, lr;
	s5 =	simm.s32 $0xFFFFFFFF;
	p2 =	slt.u32 s8, $0xFFFFF086  }
0x1c: {  	p1 =	slt.u32 s9, $0xF7A;
	s5 =	simm.s32 @!p2 $0x0  }
0x1d: {  	s5 =	simm.s32 @p1 $0x1;
	p0 =	seq.s32 s7, s2  }
0x1e: {  	s7 =	smul.u32 @!p0 $0xF7A, s2;
	p2 =	seq.s32 @!p0 s5, $0x0  }
0x1f: {  	s9 =	smul.u32 $0xF7A, s1;
	s8 =	simm.s32 @!p0 $0x1BF5;
	p2 =	por !p2, p0  }
0x20: {  	[sflag:s8] =	ssyncset.s32 @!p0 $0xFFFFF086;
	s6 =	sadd.s32 @!p0 s3, s7;
	s7 =	simm.s32 @!p0 $0x108  }
0x21: {  	s3 =	sadd.s32 s3, s9;
	s6 =	sadd.s32 @!p0 $0x88, s6;
	s7 =	simm.s32 @p2 $0x1082  }
0x22: {  	[simem:s7], [sflag:s8] =	dma.local @!p0 [hbm:s6], $0xF7A  }
0x23: {  	s9 =	sor.u32 $0xD0000000, s2;
	s6 =	simm.s32 $0x108;
	_ =	swait.ge @!p0 [sflag:s8], $0x0  }
0x24: {  	s3 =	sadd.s32 $0x88, s3;
	s6 =	simm.s32 @!p1 $0x1082;
	[sflag:s4] =	ssyncset.s32 $0xFFFFF086  }
0x25: {  	[simem:s6], [sflag:s4] =	dma.local [hbm:s3], $0xF7A  }
0x26: {  	[smem:$0x3F9F] =	sst s1;
	(tag) =	ssettag s2;
	_ =	strace s9  }
0x27: {  	s1 =	sld [smem:$0x3FAF]  }
0x28: {  	s2 =	sld [smem:$0x3FB0]  }
0x29: {  	s4 =	sld [smem:$0x3FB2]  }
0x2a: {  	p0 =	seq.s32 s5, $0x0;
	s5 =	sld [smem:$0x3FB3]  }
0x2b: {  	s6 =	sld [smem:$0x3FB4]  }
0x2c: {  	s7 =	sld [smem:$0x3FB5]  }
0x2d: {  	s3 =	simm.s32 $0x108;
	s8 =	sld [smem:$0x3FB6]  }
0x2e: {  	s3 =	simm.s32 @!p0 $0x1082;
	s9 =	sld [smem:$0x3FB7]  }
0x2f: {  	lr =	sadd.s32 s0, s3;
	s0 =	sld [smem:$0x3FAE]  }
0x30: {  	s3 =	sld [smem:$0x3FB1]  }
0x31: {  	[smem:$0x3FBA] =	sst s10  }
0x32: {  	s10 =	sld [smem:$0x3FB8];
	_ =	sdelay $0x3  }
0x33: {  	p0 =	seq.s32 s10, $0x1;
	s10 =	sld [smem:$0x3FBA];
	_ =	sdelay $0x3  }
0x34: {  	[smem:$0x3FBA] =	sst s10  }
0x35: {  	s10 =	sld [smem:$0x3FB9];
	_ =	sdelay $0x3  }
0x36: {  	p1 =	seq.s32 s10, $0x1;
	s10 =	sld [smem:$0x3FBA];
	_ =	sdelay $0x3  }
0x37: {  	[smem:$0x3FBA] =	sst s10  }
0x38: {  	s10 =	sld [smem:$0x3FBB]  }
0x39: {  	_ = 	snop;
	(pc) =	sbr.ind lr, $3  }
0x3a: {  	_ = 	snop  }
0x3b: {  	_ = 	snop  }
0x3c: {  	p2 =	seq.s32 s10, $0x1;
	s10 =	sld [smem:$0x3FBA]  }
0x3d: {  	_ =	shalt  }
0x3e: {  	_ =	shalt  }
0x3f: {  	_ =	shalt  }
0x40: {  	_ =	shalt  }
0x41: {  	_ =	shalt  }
0x42: {  	_ =	shalt  }
0x43: {  	_ =	shalt  }
0x44: {  	_ =	shalt  }
0x45: {  	_ =	shalt  }
0x46: {  	_ =	shalt  }
0x47: {  	_ =	shalt  }
0x48: {  	_ =	shalt  }
0x49: {  	_ =	shalt  }
0x4a: {  	_ =	shalt  }
0x4b: {  	_ =	shalt  }
0x4c: {  	_ =	shalt  }
0x4d: {  	_ =	shalt  }
0x4e: {  	_ =	shalt  }
0x4f: {  	_ =	shalt  }
0x50: {  	_ =	shalt  }
0x51: {  	_ =	shalt  }
0x52: {  	_ =	shalt  }
0x53: {  	_ =	shalt  }
0x54: {  	_ =	shalt  }
0x55: {  	_ =	shalt  }
0x56: {  	_ =	shalt  }
0x57: {  	_ =	shalt  }
0x58: {  	_ =	shalt  }
0x59: {  	_ =	shalt  }
0x5a: {  	_ =	shalt  }
0x5b: {  	_ =	shalt  }
0x5c: {  	_ =	shalt  }
0x5d: {  	_ =	shalt  }
0x5e: {  	_ =	shalt  }
0x5f: {  	_ =	shalt  }
0x60: {  	_ =	shalt  }
0x61: {  	_ =	shalt  }
0x62: {  	_ =	shalt  }
0x63: {  	_ =	shalt  }
0x64: {  	_ =	shalt  }
0x65: {  	_ =	shalt  }
0x66: {  	_ =	shalt  }
0x67: {  	_ =	shalt  }
0x68: {  	_ =	shalt  }
0x69: {  	_ =	shalt  }
0x6a: {  	_ =	shalt  }
0x6b: {  	_ =	shalt  }
0x6c: {  	_ =	shalt  }
0x6d: {  	_ =	shalt  }
0x6e: {  	_ =	shalt  }
0x6f: {  	_ =	shalt  }
0x70: {  	_ =	shalt  }
0x71: {  	_ =	shalt  }
0x72: {  	_ =	shalt  }
0x73: {  	_ =	shalt  }
0x74: {  	_ =	shalt  }
0x75: {  	_ =	shalt  }
0x76: {  	_ =	shalt  }
0x77: {  	_ =	shalt  }
0x78: {  	_ =	shalt  }
0x79: {  	_ =	shalt  }
0x7a: {  	_ =	shalt  }
0x7b: {  	_ =	shalt  }
0x7c: {  	_ =	shalt  }
0x7d: {  	_ =	shalt  }
0x7e: {  	_ =	shalt  }
0x7f: {  	_ =	shalt  }
0x80: {  	_ =	shalt  }
0x81: {  	_ =	shalt  }
0x82: {  	_ =	shalt  }
0x83: {  	_ =	shalt  }
0x84: {  	_ =	shalt  }
0x85: {  	_ =	shalt  }
0x86: {  	_ =	shalt  }
0x87: {  	_ =	shalt  }
.Lfunc_end0:
.L_simem_size_0:
called_computation_lowered:
.L_overlay_start_0:
0x88: {  	s2 =	sld [smem:$0x3FD9]  }
0x89: {  	s3 =	sld [smem:$0x3FFE];
	_ =	sdelay $0x1  }
0x8a: {  	s1 =	srdreg.scid  }
0x8b: {  	s0 =	sand.u32 $0x1, s1  }
0x8c: {  	s17 =	sshll.u32 s0, $0xA;
	s2 =	sadd.s32 s3, s2  }
0x8d: {  	s2 =	sadd.s32 s2, s17  }
0x8e: {  	[smem:$0x3FC6] =	sst s2  }
0x8f: {  	_ = 	snop  }
0x90: {  	s2 =	sld [smem:$0x3FC8]  }
0x91: {  	s18 =	sld [smem:$0x3FD0];
	(tm) =	ssettm $0x1  }
0x92: {  	s4 =	sld [smem:$0x3FFB];
	_ =	sdelay $0x3  }
0x93: {  	_ =	strace s4  }
0x94: {  	s4 =	sld [smem:$0x3FFC];
	_ =	sdelay $0x3  }
0x95: {  	_ =	strace s4  }
0x96: {  	s4 =	sld [smem:$0x3FFD];
	_ =	sdelay $0x3  }
0x97: {  	_ =	strace s4  }
0x98: {  	_ =	strace $0x8FFFFFFF  }
0x99: {  	s19 =	sld [smem:$0x3FDB];
	_ =	sdelay $0x1  }
0x9a: {  	s5 =	simm.s32 $_scs_section_size  }
0x9b: {  	s6 =	simm.s32 $_size__tile_overlayer_lowered;
	s7 =	simm.s32 $_tile_overlayer_lowered  }
0x9c: {  	s22 =	simm.s32 $0x1BFF;
	s21 =	sshll.u32 s7, $0x1;
	s4 =	sadd.s32 s5, s19  }
0x9d: {  	s8 =	simm.s32 $0x0;
	s20 =	sshll.u32 s6, $0x1;
	s6 =	sadd.s32 s21, s4  }
0x9e: {  	[timem:s8], [sflag:s22] =	dma.local [hbm:s6], s20  }
0x9f: {  	_ =	swait.ge [sflag:s22], s20  }
0xa0: {  	s5 =	ssub.s32 $0x0, s20;
	[sflag:s22] =	ssyncset.done $0x0  }
0xa1: {  	[sflag:s22] =	ssyncadd.s32 s5;
	_ =	sdelay $0x1  }
0xa2: {  	s23 =	simm.s32 $0x1B8B  }
0xa3: {  	_ =	swait.ge [sflag:s23], $0x1  }
0xa4: {  	[sflag:s23] =	ssyncset.done $0x0  }
0xa5: {  	s25 =	simm.s32 $0x1B8E;
	s24 =	sld [smem:$0x3FFE];
	[sflag:s23] =	ssyncadd.s32 $0xFFFFFFFF  }
0xa6: {  	s26 =	simm.s32 $execute0_lowered;
	[smem:$0x3FD2] =	sst s25  }
0xa7: {  	s6 =	sshll.u32 s26, $0x1;
	_ =	strace $0x80000046;
	[dreg:$0x1] =	wrdreg $0xFFFFFFFF  }
0xa8: {  	s28 =	simm.s32 $_size_execute0_lowered;
	s4 =	sadd.s32 s4, s6;
	[dreg:$0x0] =	wrdreg $0x0  }
0xa9: {  	s6 =	sshll.u32 s28, $0x1;
	[dreg:$0x2] =	wrdreg s4  }
0xaa: {  	[dreg:$0x3] =	wrdreg s6  }
0xab: {  	[dreg:$0x4] =	wrdreg $0xC0  }
0xac: {  	_ =	task [dreg:s8], $0x5FFFF  }
0xad: {  	[dreg:$0x1] =	wrdreg $0xFFFFFFFF  }
0xae: {  	[dreg:$0x0] =	wrdreg $0x60  }
0xaf: {  	[dreg:$0x2] =	wrdreg s24  }
0xb0: {  	[dreg:$0x3] =	wrdreg s2  }
0xb1: {  	[dreg:$0x4] =	wrdreg s18  }
0xb2: {  	[dreg:$0x5] =	wrdreg $0x9  }
0xb3: {  	_ =	task.clear_ibuf [dreg:s8], $0x6FFFF;
	_ =	strace $0x90000046  }
0xb4: {  	s29 =	simm.s32 $0x9;
	_ =	strace $0x80000048  }
0xb5: {  	_ =	swait.ge [sflag:s29], $0x1  }
0xb6: {  	[sflag:s29] =	ssyncadd.s32 $0xFFFFFFFF  }
0xb7: {  	_ =	strace $0x90000048  }
0xb8: {  	_ =	sfence  }
0xb9: {  	s30 =	sld [smem:$0x0];
	_ =	sdelay $0x2  }
0xba: {  	s31 =	sshll.u32 s1, $0xD;
	s1 =	sshrl.u32 s1, $0x2  }
0xbb: {  	s3 =	sand.u32 $0x4000, s31;
	s1 =	sadd.s32 s1, s30  }
0xbc: {  	s0 =	sor.u32 s3, s0;
	s1 =	sshll.u32 s1, $0x11  }
0xbd: {  	s0 =	sor.u32 s1, s0  }
0xbe: {  	s0 =	sadd.s32 $0x8F2B, s0  }
0xbf: {  	[sflag:s0] =	ssyncadd.remote.s32 $0x1  }
0xc0: {  	_ =	sfence.sel $0xFFFF  }
0xc1: {  	[dreg:$0x0] =	wrdreg $0xFFFFFFFF;
	(pc) =	sbr.abs _section_cstart, $3  }
0xc2: {  	[dreg:$0x1] =	wrdreg $0xFFFFFFFF  }
0xc3: {  	_ =	task.clear_ibuf [dreg:s8], $0x2FFFF;
	_ =	strace $0x9FFFFFFF  }
0xc4: {  	(tm) =	ssettm $0x7FFFFFFF  }
0xc5: {  	_ =	shalt  }
tec
execute0_lowered:
.L_overlay_start_1:
0x0: {  	(tag) =	ssettag $0x1  }
0x1: {  	s0 =	rddreg [dreg:$0x0]  }
0x2: {  	s2 =	rddreg [dreg:$0x1]  }
0x3: {  	s1 =	rddreg [dreg:$0x2]  }
0x4: {  	s3 =	srdreg.scid;
	s5 =	stileid.u32;
	s31 =	simm.s32 $0x400  }
0x5: {  	s14 =	simm.s32 $0xC00;
	s13 =	simm.s32 $0x1400;
	s15 =	simm.s32 $0x1C00  }
0x6: {  	s17 =	simm.s32 $0x2C00;
	s18 =	simm.s32 $0x3400;
	s19 =	simm.s32 $0x3C00  }
0x7: {  	s20 =	simm.s32 $0x4400;
	s21 =	simm.s32 $0x4C00;
	s28 =	simm.s32 $0x7C00  }
0x8: {  	s29 =	simm.s32 $0x8400;
	s30 =	simm.s32 $0x8C00;
	s11 =	simm.s32 $0xA400  }
0x9: {  	s16 =	simm.s32 $0xC400;
	s12 =	simm.s32 $0x0;
	s4 =	sand.u32 $0x1, s3  }
0xa: {  	s3 =	simm.s32 $0x0;
	s5 =	sshll.u32 s5, $0xB;
	s6 =	sshll.u32 s4, $0xA  }
0xb: {  	[smem:$0x7FF] =	sst s3;
	s4 =	ssub.s32 $0x2, s4;
	s5 =	sor.u32 s6, s5  }
0xc: {  	_ =	strace $0x80000047;
	s8 =	sshrl.u32 s4, $0x1;
	s6 =	sshrl.u32 s5, $0x3  }
0xd: {  	[dreg:$0xa] =	wrdreg s12;
	s5 =	sor.u32 $0x80, s5;
	s7 =	smul.u32 $0x300, s6  }
0xe: {  	s4 =	ssub.s32 s4, s8;
	s8 =	simm.s32 $0x3;
	s9 =	smul.u32 $0x1800, s6  }
0xf: {  	s5 =	sshrl.u32 s5, $0x3;
	s0 =	sadd.s32 s6, s0;
	s6 =	sadd.s32 $0x200, s2  }
0x10: {  	s26 =	smax.u32 s4, $0x1;
	s4 =	simm.s32 $0x1;
	s22 =	smul.u32 $0x300, s5  }
0x11: {  	s0 =	sadd.s32 $0x400, s0;
	s5 =	sadd.s32 $0x100, s2;
	[dreg:$0x9] =	wrdreg s26  }
0x12: {  	s26 =	simm.s32 $0x7400;
	[dreg:$0x6] =	wrdreg s0;
	s10 =	sadd.s32 s7, s1  }
0x13: {  	s23 =	sshrl.u32 s9, $0x3;
	s9 =	simm.s32 $0x2400;
	s7 =	simm.s32 $0x2  }
0x14: {  	s24 =	sadd.s32 s22, s1;
	s0 =	sadd.s32 s1, s23;
	[dreg:$0x7] =	wrdreg s10  }
0x15: {  	s25 =	sadd.s32 $0x1800, s10;
	s22 =	simm.s32 $0x5400;
	s23 =	simm.s32 $0x5C00  }
0x16: {  	v2 =	vlaneseq.u32;
	s1 =	simm.s32 $0x9C00;
	s10 =	simm.s32 $0x4;
	[dreg:$0x4] =	wrdreg s24  }
0x17: {  	vm0 =	vmmov $0xffff;
	v1 =	vshrl.u32 v2, $0x3;
	s0 =	sadd.s32 $0x16800, s0;
	[dreg:$0x5] =	wrdreg s25;
	s24 =	simm.s32 $0x6400  }
0x18: {  	v0 =	vand.u32 $0x7, v2;
	v2 =	vor.u32 $0x8, v2;
	v1 =	vmul.u32 $0x8, v1;
	s25 =	simm.s32 $0x6C00;
	[dreg:$0x8] =	wrdreg s0;
	s0 =	simm.s32 $0x9400  }
.LBB2_1:
0x19: {  	s12 =	rddreg [dreg:$0x6]  }
0x1a: {  	[tilespmem:s3], [sflag:$0x5] =	stream.linear.gather [hbm4b:s12+s3], $0x400, $0x38;
	[tilespmem:$0x18400] =	vst v63  }
0x1b: {  	s12 =	simm.s32 $0x5  }
0x1c: {  	_ =	swait.ge [sflag:s12], $0x400  }
0x1d: {  	[sflag:s12] =	ssyncset.done $0x0  }
0x1e: {  	[sflag:s12] =	ssyncadd.s32 $0xFFFFFC00  }
0x1f: {  	v3 =	vld [tilespmem:$0x0];
	_ =	sdelay $0x4  }
0x20: {  	v4 =	vshrl.u32 v3, $0x3  }
0x21: {  	v4 =	vmul.u32 $0x30, v4  }
0x22: {  	v3 =	vand.u32 $0x7, v3  }
0x23: {  	v3 =	vor.u32 v3, v4  }
0x24: {  	v4 =	vperm.xlane v3, v0;
	_ =	sdelay $0x1  }
0x25: {  	v4 =	vadd.s32 v1, v4;
	_ =	sdelay $0x3  }
0x26: {  	v3 =	vperm.xlane v3, v2  }
0x27: {  	[tilespmem:s31], [sflag:$0x1] =	stream.indirect_vreg.gather [hbm4b:s2+s3], $0x80, v4, vm0, $0xb8;
	[tilespmem:$0x18400] =	vst v63  }
0x28: {  	v3 =	vadd.s32 v1, v3  }
0x29: {  	[tilespmem:s14], [sflag:$0x1] =	stream.indirect_vreg.gather [hbm4b:s5+s3], $0x80, v4, vm0, $0xb8;
	[tilespmem:$0x18400] =	vst v63  }
0x2a: {  	_ = 	snop  }
0x2b: {  	[tilespmem:s13], [sflag:$0x1] =	stream.indirect_vreg.gather [hbm4b:s6+s3], $0x80, v4, vm0, $0xb8;
	[tilespmem:$0x18400] =	vst v63  }
0x2c: {  	_ = 	snop  }
0x2d: {  	[tilespmem:s15], [sflag:$0x1] =	stream.indirect_vreg.gather [hbm4b:s2+s3], $0x80, v3, vm0, $0xb8;
	[tilespmem:$0x18400] =	vst v63  }
0x2e: {  	_ = 	snop  }
0x2f: {  	[tilespmem:s9], [sflag:$0x1] =	stream.indirect_vreg.gather [hbm4b:s5+s3], $0x80, v3, vm0, $0xb8;
	[tilespmem:$0x18400] =	vst v63  }
0x30: {  	_ = 	snop  }
0x31: {  	[tilespmem:s17], [sflag:$0x1] =	stream.indirect_vreg.gather [hbm4b:s6+s3], $0x80, v3, vm0, $0xb8;
	[tilespmem:$0x18400] =	vst v63  }
0x32: {  	v3 =	vld [tilespmem:$0x10];
	_ =	sdelay $0x4  }
0x33: {  	v57 =	vshrl.u32 v3, $0x3  }
0x34: {  	v4 =	vmul.u32 $0x30, v57  }
0x35: {  	v3 =	vand.u32 $0x7, v3  }
0x36: {  	v3 =	vor.u32 v3, v4  }
0x37: {  	v4 =	vperm.xlane v3, v0;
	_ =	sdelay $0x1  }
0x38: {  	v4 =	vadd.s32 v1, v4;
	_ =	sdelay $0x3  }
0x39: {  	v3 =	vperm.xlane v3, v2  }
0x3a: {  	[tilespmem:s18], [sflag:$0x1] =	stream.indirect_vreg.gather [hbm4b:s2+s3], $0x80, v4, vm0, $0xb8;
	[tilespmem:$0x18400] =	vst v63  }
0x3b: {  	v3 =	vadd.s32 v1, v3  }
0x3c: {  	[tilespmem:s19], [sflag:$0x1] =	stream.indirect_vreg.gather [hbm4b:s5+s3], $0x80, v4, vm0, $0xb8;
	[tilespmem:$0x18400] =	vst v63  }
0x3d: {  	_ = 	snop  }
0x3e: {  	[tilespmem:s20], [sflag:$0x1] =	stream.indirect_vreg.gather [hbm4b:s6+s3], $0x80, v4, vm0, $0xb8;
	[tilespmem:$0x18400] =	vst v63  }
0x3f: {  	_ = 	snop  }
0x40: {  	[tilespmem:s21], [sflag:$0x1] =	stream.indirect_vreg.gather [hbm4b:s2+s3], $0x80, v3, vm0, $0xb8;
	[tilespmem:$0x18400] =	vst v63  }
0x41: {  	_ = 	snop  }
0x42: {  	[tilespmem:s22], [sflag:$0x1] =	stream.indirect_vreg.gather [hbm4b:s5+s3], $0x80, v3, vm0, $0xb8;
	[tilespmem:$0x18400] =	vst v63  }
0x43: {  	_ = 	snop  }
0x44: {  	[tilespmem:s23], [sflag:$0x1] =	stream.indirect_vreg.gather [hbm4b:s6+s3], $0x80, v3, vm0, $0xb8;
	[tilespmem:$0x18400] =	vst v63  }
0x45: {  	v3 =	vld [tilespmem:$0x20];
	_ =	sdelay $0x4  }
0x46: {  	v58 =	vshrl.u32 v3, $0x3  }
0x47: {  	v4 =	vmul.u32 $0x30, v58  }
0x48: {  	v3 =	vand.u32 $0x7, v3  }
0x49: {  	v3 =	vor.u32 v3, v4  }
0x4a: {  	v4 =	vperm.xlane v3, v0;
	_ =	sdelay $0x1  }
0x4b: {  	v4 =	vadd.s32 v1, v4;
	_ =	sdelay $0x3  }
0x4c: {  	v3 =	vperm.xlane v3, v2  }
0x4d: {  	[tilespmem:s24], [sflag:$0x1] =	stream.indirect_vreg.gather [hbm4b:s2+s3], $0x80, v4, vm0, $0xb8;
	[tilespmem:$0x18400] =	vst v63  }
0x4e: {  	v3 =	vadd.s32 v1, v3  }
0x4f: {  	[tilespmem:s25], [sflag:$0x1] =	stream.indirect_vreg.gather [hbm4b:s5+s3], $0x80, v4, vm0, $0xb8;
	[tilespmem:$0x18400] =	vst v63  }
0x50: {  	_ = 	snop  }
0x51: {  	[tilespmem:s26], [sflag:$0x1] =	stream.indirect_vreg.gather [hbm4b:s6+s3], $0x80, v4, vm0, $0xb8;
	[tilespmem:$0x18400] =	vst v63  }
0x52: {  	_ = 	snop  }
0x53: {  	[tilespmem:s28], [sflag:$0x1] =	stream.indirect_vreg.gather [hbm4b:s2+s3], $0x80, v3, vm0, $0xb8;
	[tilespmem:$0x18400] =	vst v63  }
0x54: {  	_ = 	snop  }
0x55: {  	[tilespmem:s29], [sflag:$0x1] =	stream.indirect_vreg.gather [hbm4b:s5+s3], $0x80, v3, vm0, $0xb8;
	[tilespmem:$0x18400] =	vst v63  }
0x56: {  	_ = 	snop  }
0x57: {  	[tilespmem:s30], [sflag:$0x1] =	stream.indirect_vreg.gather [hbm4b:s6+s3], $0x80, v3, vm0, $0xb8;
	[tilespmem:$0x18400] =	vst v63  }
0x58: {  	v3 =	vld [tilespmem:$0x30];
	_ =	sdelay $0x4  }
0x59: {  	v59 =	vshrl.u32 v3, $0x3  }
0x5a: {  	v4 =	vmul.u32 $0x30, v59  }
0x5b: {  	v3 =	vand.u32 $0x7, v3  }
0x5c: {  	v3 =	vor.u32 v3, v4  }
0x5d: {  	v4 =	vperm.xlane v3, v0;
	_ =	sdelay $0x1  }
0x5e: {  	v4 =	vadd.s32 v1, v4;
	_ =	sdelay $0x3  }
0x5f: {  	v3 =	vperm.xlane v3, v2  }
0x60: {  	[tilespmem:s0], [sflag:$0x1] =	stream.indirect_vreg.gather [hbm4b:s2+s3], $0x80, v4, vm0, $0xb8;
	[tilespmem:$0x18400] =	vst v63  }
0x61: {  	v3 =	vadd.s32 v1, v3  }
0x62: {  	[tilespmem:s1], [sflag:$0x1] =	stream.indirect_vreg.gather [hbm4b:s5+s3], $0x80, v4, vm0, $0xb8;
	[tilespmem:$0x18400] =	vst v63  }
0x63: {  	_ = 	snop  }
0x64: {  	[tilespmem:s11], [sflag:$0x1] =	stream.indirect_vreg.gather [hbm4b:s6+s3], $0x80, v4, vm0, $0xb8;
	[tilespmem:$0x18400] =	vst v63  }
0x65: {  	s17 =	simm.s32 $0xAC00  }
0x66: {  	[tilespmem:s17], [sflag:$0x1] =	stream.indirect_vreg.gather [hbm4b:s2+s3], $0x80, v3, vm0, $0xb8;
	[tilespmem:$0x18400] =	vst v63  }
0x67: {  	s18 =	simm.s32 $0xB400  }
0x68: {  	[tilespmem:s18], [sflag:$0x1] =	stream.indirect_vreg.gather [hbm4b:s5+s3], $0x80, v3, vm0, $0xb8;
	[tilespmem:$0x18400] =	vst v63  }
0x69: {  	s19 =	simm.s32 $0xBC00  }
0x6a: {  	[tilespmem:s19], [sflag:$0x1] =	stream.indirect_vreg.gather [hbm4b:s6+s3], $0x80, v3, vm0, $0xb8;
	[tilespmem:$0x18400] =	vst v63  }
0x6b: {  	v3 =	vld [tilespmem:$0x40];
	_ =	sdelay $0x4  }
0x6c: {  	v60 =	vshrl.u32 v3, $0x3  }
0x6d: {  	v4 =	vmul.u32 $0x30, v60  }
0x6e: {  	v3 =	vand.u32 $0x7, v3  }
0x6f: {  	v3 =	vor.u32 v3, v4  }
0x70: {  	v4 =	vperm.xlane v3, v0;
	_ =	sdelay $0x1  }
0x71: {  	v4 =	vadd.s32 v1, v4;
	_ =	sdelay $0x3  }
0x72: {  	v3 =	vperm.xlane v3, v2  }
0x73: {  	[tilespmem:s16], [sflag:$0x2] =	stream.indirect_vreg.gather [hbm4b:s2+s3], $0x80, v4, vm0, $0xb8;
	[tilespmem:$0x18400] =	vst v63  }
0x74: {  	s20 =	simm.s32 $0xCC00;
	v3 =	vadd.s32 v1, v3  }
0x75: {  	[tilespmem:s20], [sflag:$0x2] =	stream.indirect_vreg.gather [hbm4b:s5+s3], $0x80, v4, vm0, $0xb8;
	[tilespmem:$0x18400] =	vst v63  }
0x76: {  	s21 =	simm.s32 $0xD400  }
0x77: {  	[tilespmem:s21], [sflag:$0x2] =	stream.indirect_vreg.gather [hbm4b:s6+s3], $0x80, v4, vm0, $0xb8;
	[tilespmem:$0x18400] =	vst v63  }
0x78: {  	s22 =	simm.s32 $0xDC00  }
0x79: {  	[tilespmem:s22], [sflag:$0x2] =	stream.indirect_vreg.gather [hbm4b:s2+s3], $0x80, v3, vm0, $0xb8;
	[tilespmem:$0x18400] =	vst v63  }
0x7a: {  	s23 =	simm.s32 $0xE400  }
0x7b: {  	[tilespmem:s23], [sflag:$0x2] =	stream.indirect_vreg.gather [hbm4b:s5+s3], $0x80, v3, vm0, $0xb8;
	[tilespmem:$0x18400] =	vst v63  }
0x7c: {  	s24 =	simm.s32 $0xEC00  }
0x7d: {  	[tilespmem:s24], [sflag:$0x2] =	stream.indirect_vreg.gather [hbm4b:s6+s3], $0x80, v3, vm0, $0xb8;
	[tilespmem:$0x18400] =	vst v63  }
0x7e: {  	v3 =	vld [tilespmem:$0x50];
	_ =	sdelay $0x4  }
0x7f: {  	v61 =	vshrl.u32 v3, $0x3  }
0x80: {  	v4 =	vmul.u32 $0x30, v61  }
0x81: {  	v3 =	vand.u32 $0x7, v3  }
0x82: {  	v3 =	vor.u32 v3, v4  }
0x83: {  	v4 =	vperm.xlane v3, v0;
	_ =	sdelay $0x1  }
0x84: {  	v4 =	vadd.s32 v1, v4;
	_ =	sdelay $0x3  }
0x85: {  	s25 =	simm.s32 $0xF400;
	v3 =	vperm.xlane v3, v2  }
0x86: {  	[tilespmem:s25], [sflag:$0x2] =	stream.indirect_vreg.gather [hbm4b:s2+s3], $0x80, v4, vm0, $0xb8;
	[tilespmem:$0x18400] =	vst v63  }
0x87: {  	s26 =	simm.s32 $0xFC00;
	v3 =	vadd.s32 v1, v3  }
0x88: {  	[tilespmem:s26], [sflag:$0x2] =	stream.indirect_vreg.gather [hbm4b:s5+s3], $0x80, v4, vm0, $0xb8;
	[tilespmem:$0x18400] =	vst v63  }
0x89: {  	s1 =	simm.s32 $0x10400  }
0x8a: {  	[tilespmem:s1], [sflag:$0x2] =	stream.indirect_vreg.gather [hbm4b:s6+s3], $0x80, v4, vm0, $0xb8;
	[tilespmem:$0x18400] =	vst v63  }
0x8b: {  	s9 =	simm.s32 $0x10C00  }
0x8c: {  	[tilespmem:s9], [sflag:$0x2] =	stream.indirect_vreg.gather [hbm4b:s2+s3], $0x80, v3, vm0, $0xb8;
	[tilespmem:$0x18400] =	vst v63  }
0x8d: {  	s11 =	simm.s32 $0x11400  }
0x8e: {  	[tilespmem:s11], [sflag:$0x2] =	stream.indirect_vreg.gather [hbm4b:s5+s3], $0x80, v3, vm0, $0xb8;
	[tilespmem:$0x18400] =	vst v63  }
0x8f: {  	s12 =	simm.s32 $0x11C00  }
0x90: {  	[tilespmem:s12], [sflag:$0x2] =	stream.indirect_vreg.gather [hbm4b:s6+s3], $0x80, v3, vm0, $0xb8;
	[tilespmem:$0x18400] =	vst v63  }
0x91: {  	v3 =	vld [tilespmem:$0x60];
	_ =	sdelay $0x4  }
0x92: {  	v62 =	vshrl.u32 v3, $0x3  }
0x93: {  	v4 =	vmul.u32 $0x30, v62  }
0x94: {  	v3 =	vand.u32 $0x7, v3  }
0x95: {  	v3 =	vor.u32 v3, v4  }
0x96: {  	v4 =	vperm.xlane v3, v0;
	_ =	sdelay $0x1  }
0x97: {  	v4 =	vadd.s32 v1, v4;
	_ =	sdelay $0x3  }
0x98: {  	s13 =	simm.s32 $0x12400;
	v3 =	vperm.xlane v3, v2  }
0x99: {  	[tilespmem:s13], [sflag:$0x2] =	stream.indirect_vreg.gather [hbm4b:s2+s3], $0x80, v4, vm0, $0xb8;
	[tilespmem:$0x18400] =	vst v63  }
0x9a: {  	s15 =	simm.s32 $0x12C00;
	v3 =	vadd.s32 v1, v3  }
0x9b: {  	[tilespmem:s15], [sflag:$0x2] =	stream.indirect_vreg.gather [hbm4b:s5+s3], $0x80, v4, vm0, $0xb8;
	[tilespmem:$0x18400] =	vst v63  }
0x9c: {  	s16 =	simm.s32 $0x13400  }
0x9d: {  	[tilespmem:s16], [sflag:$0x2] =	stream.indirect_vreg.gather [hbm4b:s6+s3], $0x80, v4, vm0, $0xb8;
	[tilespmem:$0x18400] =	vst v63  }
0x9e: {  	s17 =	simm.s32 $0x13C00  }
0x9f: {  	[tilespmem:s17], [sflag:$0x2] =	stream.indirect_vreg.gather [hbm4b:s2+s3], $0x80, v3, vm0, $0xb8;
	[tilespmem:$0x18400] =	vst v63  }
0xa0: {  	s18 =	simm.s32 $0x14400  }
0xa1: {  	[tilespmem:s18], [sflag:$0x2] =	stream.indirect_vreg.gather [hbm4b:s5+s3], $0x80, v3, vm0, $0xb8;
	[tilespmem:$0x18400] =	vst v63  }
0xa2: {  	s19 =	simm.s32 $0x14C00  }
0xa3: {  	[tilespmem:s19], [sflag:$0x2] =	stream.indirect_vreg.gather [hbm4b:s6+s3], $0x80, v3, vm0, $0xb8;
	[tilespmem:$0x18400] =	vst v63  }
0xa4: {  	v3 =	vld [tilespmem:$0x70];
	_ =	sdelay $0x4  }
0xa5: {  	v63 =	vshrl.u32 v3, $0x3  }
0xa6: {  	v4 =	vmul.u32 $0x30, v63  }
0xa7: {  	v3 =	vand.u32 $0x7, v3  }
0xa8: {  	v3 =	vor.u32 v3, v4  }
0xa9: {  	v4 =	vperm.xlane v3, v0;
	_ =	sdelay $0x1  }
0xaa: {  	v4 =	vadd.s32 v1, v4;
	_ =	sdelay $0x3  }
0xab: {  	s28 =	simm.s32 $0x7400;
	s29 =	simm.s32 $0x7C00;
	s20 =	simm.s32 $0x15400;
	v3 =	vperm.xlane v3, v2  }
0xac: {  	[tilespmem:s20], [sflag:$0x2] =	stream.indirect_vreg.gather [hbm4b:s2+s3], $0x80, v4, vm0, $0xb8;
	[tilespmem:$0x18400] =	vst v63  }
0xad: {  	s30 =	simm.s32 $0x8400;
	s0 =	simm.s32 $0x9400;
	s21 =	simm.s32 $0x15C00;
	v3 =	vadd.s32 v1, v3  }
0xae: {  	[tilespmem:s21], [sflag:$0x2] =	stream.indirect_vreg.gather [hbm4b:s5+s3], $0x80, v4, vm0, $0xb8;
	[tilespmem:$0x18400] =	vst v63  }
0xaf: {  	s22 =	simm.s32 $0x16400;
	s23 =	simm.s32 $0x16C00;
	s24 =	simm.s32 $0x17400  }
0xb0: {  	[tilespmem:s22], [sflag:$0x2] =	stream.indirect_vreg.gather [hbm4b:s6+s3], $0x80, v4, vm0, $0xb8;
	[tilespmem:$0x18400] =	vst v63  }
0xb1: {  	s25 =	simm.s32 $0x17C00;
	s1 =	simm.s32 $0x9C00;
	s9 =	simm.s32 $0x400  }
0xb2: {  	[tilespmem:s23], [sflag:$0x2] =	stream.indirect_vreg.gather [hbm4b:s2+s3], $0x80, v3, vm0, $0xb8;
	[tilespmem:$0x18400] =	vst v63  }
0xb3: {  	s11 =	simm.s32 $0xA400;
	s12 =	simm.s32 $0xF0;
	s13 =	simm.s32 $0x0  }
0xb4: {  	[tilespmem:s24], [sflag:$0x2] =	stream.indirect_vreg.gather [hbm4b:s5+s3], $0x80, v3, vm0, $0xb8;
	[tilespmem:$0x18400] =	vst v63  }
0xb5: {  	s15 =	simm.s32 $0x1400;
	s17 =	simm.s32 $0x2400;
	s19 =	simm.s32 $0x3400  }
0xb6: {  	[tilespmem:s25], [sflag:$0x2] =	stream.indirect_vreg.gather [hbm4b:s6+s3], $0x80, v3, vm0, $0xb8;
	[tilespmem:$0x18400] =	vst v63  }
0xb7: {  	s20 =	simm.s32 $0x3C00;
	s21 =	simm.s32 $0x4400;
	_ =	swait.ge [sflag:s4], $0xC000  }
0xb8: {  	s22 =	simm.s32 $0x4C00;
	s23 =	simm.s32 $0x5400;
	[sflag:s4] =	ssyncset.done $0x0  }
0xb9: {  	s24 =	simm.s32 $0x5C00;
	s26 =	rddreg [dreg:$0x7];
	[sflag:s4] =	ssyncadd.s32 $0xFFFF4000  }
0xba: {  	[hbm4b:s26+s3] =	stream.linear.scatter [tilespmem:s31], [sflag:$0x3], $0xC000, $0x38;
	[tilespmem:$0x18400] =	vst v63  }
0xbb: {  	s25 =	simm.s32 $0x6400;
	s31 =	simm.s32 $0x8C00;
	s26 =	simm.s32 $0x6C00  }
.LBB2_2:
0xbc: {  	_ =	swait.ge [sflag:s8], $0xC000  }
0xbd: {  	[sflag:s8] =	ssyncset.done $0x0  }
0xbe: {  	[sflag:s8] =	ssyncadd.s32 $0xFFFF4000  }
0xbf: {  	v3 =	vld [tilespmem:s12+$0xFFFFFF90];
	_ =	sdelay $0x4  }
0xc0: {  	v4 =	vshrl.u32 v3, $0x3  }
0xc1: {  	v4 =	vmul.u32 $0x30, v4  }
0xc2: {  	v3 =	vand.u32 $0x7, v3  }
0xc3: {  	v3 =	vor.u32 v3, v4  }
0xc4: {  	v4 =	vperm.xlane v3, v0;
	_ =	sdelay $0x1  }
0xc5: {  	v4 =	vadd.s32 v1, v4;
	_ =	sdelay $0x3  }
0xc6: {  	v3 =	vperm.xlane v3, v2  }
0xc7: {  	[tilespmem:s9], [sflag:$0x1] =	stream.indirect_vreg.gather [hbm4b:s2+s3], $0x80, v4, vm0, $0xb8;
	[tilespmem:$0x18400] =	vst v63  }
0xc8: {  	v3 =	vadd.s32 v1, v3  }
0xc9: {  	[tilespmem:s14], [sflag:$0x1] =	stream.indirect_vreg.gather [hbm4b:s5+s3], $0x80, v4, vm0, $0xb8;
	[tilespmem:$0x18400] =	vst v63  }
0xca: {  	_ = 	snop  }
0xcb: {  	[tilespmem:s15], [sflag:$0x1] =	stream.indirect_vreg.gather [hbm4b:s6+s3], $0x80, v4, vm0, $0xb8;
	[tilespmem:$0x18400] =	vst v63  }
0xcc: {  	s18 =	simm.s32 $0x1C00  }
0xcd: {  	[tilespmem:s18], [sflag:$0x1] =	stream.indirect_vreg.gather [hbm4b:s2+s3], $0x80, v3, vm0, $0xb8;
	[tilespmem:$0x18400] =	vst v63  }
0xce: {  	_ = 	snop  }
0xcf: {  	[tilespmem:s17], [sflag:$0x1] =	stream.indirect_vreg.gather [hbm4b:s5+s3], $0x80, v3, vm0, $0xb8;
	[tilespmem:$0x18400] =	vst v63  }
0xd0: {  	s16 =	simm.s32 $0x2C00  }
0xd1: {  	[tilespmem:s16], [sflag:$0x1] =	stream.indirect_vreg.gather [hbm4b:s6+s3], $0x80, v3, vm0, $0xb8;
	[tilespmem:$0x18400] =	vst v63  }
0xd2: {  	v3 =	vld [tilespmem:s12+$0xFFFFFFA0];
	_ =	sdelay $0x4  }
0xd3: {  	v57 =	vshrl.u32 v3, $0x3  }
0xd4: {  	v4 =	vmul.u32 $0x30, v57  }
0xd5: {  	v3 =	vand.u32 $0x7, v3  }
0xd6: {  	v3 =	vor.u32 v3, v4  }
0xd7: {  	v4 =	vperm.xlane v3, v0;
	_ =	sdelay $0x1  }
0xd8: {  	v4 =	vadd.s32 v1, v4;
	_ =	sdelay $0x3  }
0xd9: {  	v3 =	vperm.xlane v3, v2  }
0xda: {  	[tilespmem:s19], [sflag:$0x1] =	stream.indirect_vreg.gather [hbm4b:s2+s3], $0x80, v4, vm0, $0xb8;
	[tilespmem:$0x18400] =	vst v63  }
0xdb: {  	v3 =	vadd.s32 v1, v3  }
0xdc: {  	[tilespmem:s20], [sflag:$0x1] =	stream.indirect_vreg.gather [hbm4b:s5+s3], $0x80, v4, vm0, $0xb8;
	[tilespmem:$0x18400] =	vst v63  }
0xdd: {  	_ = 	snop  }
0xde: {  	[tilespmem:s21], [sflag:$0x1] =	stream.indirect_vreg.gather [hbm4b:s6+s3], $0x80, v4, vm0, $0xb8;
	[tilespmem:$0x18400] =	vst v63  }
0xdf: {  	_ = 	snop  }
0xe0: {  	[tilespmem:s22], [sflag:$0x1] =	stream.indirect_vreg.gather [hbm4b:s2+s3], $0x80, v3, vm0, $0xb8;
	[tilespmem:$0x18400] =	vst v63  }
0xe1: {  	_ = 	snop  }
0xe2: {  	[tilespmem:s23], [sflag:$0x1] =	stream.indirect_vreg.gather [hbm4b:s5+s3], $0x80, v3, vm0, $0xb8;
	[tilespmem:$0x18400] =	vst v63  }
0xe3: {  	_ = 	snop  }
0xe4: {  	[tilespmem:s24], [sflag:$0x1] =	stream.indirect_vreg.gather [hbm4b:s6+s3], $0x80, v3, vm0, $0xb8;
	[tilespmem:$0x18400] =	vst v63  }
0xe5: {  	v3 =	vld [tilespmem:s12+$0xFFFFFFB0];
	_ =	sdelay $0x4  }
0xe6: {  	v58 =	vshrl.u32 v3, $0x3  }
0xe7: {  	v4 =	vmul.u32 $0x30, v58  }
0xe8: {  	v3 =	vand.u32 $0x7, v3  }
0xe9: {  	v3 =	vor.u32 v3, v4  }
0xea: {  	v4 =	vperm.xlane v3, v0;
	_ =	sdelay $0x1  }
0xeb: {  	v4 =	vadd.s32 v1, v4;
	_ =	sdelay $0x3  }
0xec: {  	v3 =	vperm.xlane v3, v2  }
0xed: {  	[tilespmem:s25], [sflag:$0x1] =	stream.indirect_vreg.gather [hbm4b:s2+s3], $0x80, v4, vm0, $0xb8;
	[tilespmem:$0x18400] =	vst v63  }
0xee: {  	v3 =	vadd.s32 v1, v3  }
0xef: {  	[tilespmem:s26], [sflag:$0x1] =	stream.indirect_vreg.gather [hbm4b:s5+s3], $0x80, v4, vm0, $0xb8;
	[tilespmem:$0x18400] =	vst v63  }
0xf0: {  	_ = 	snop  }
0xf1: {  	[tilespmem:s28], [sflag:$0x1] =	stream.indirect_vreg.gather [hbm4b:s6+s3], $0x80, v4, vm0, $0xb8;
	[tilespmem:$0x18400] =	vst v63  }
0xf2: {  	_ = 	snop  }
0xf3: {  	[tilespmem:s29], [sflag:$0x1] =	stream.indirect_vreg.gather [hbm4b:s2+s3], $0x80, v3, vm0, $0xb8;
	[tilespmem:$0x18400] =	vst v63  }
0xf4: {  	_ = 	snop  }
0xf5: {  	[tilespmem:s30], [sflag:$0x1] =	stream.indirect_vreg.gather [hbm4b:s5+s3], $0x80, v3, vm0, $0xb8;
	[tilespmem:$0x18400] =	vst v63  }
0xf6: {  	_ = 	snop  }
0xf7: {  	[tilespmem:s31], [sflag:$0x1] =	stream.indirect_vreg.gather [hbm4b:s6+s3], $0x80, v3, vm0, $0xb8;
	[tilespmem:$0x18400] =	vst v63  }
0xf8: {  	v3 =	vld [tilespmem:s12+$0xFFFFFFC0];
	_ =	sdelay $0x4  }
0xf9: {  	v59 =	vshrl.u32 v3, $0x3  }
0xfa: {  	v4 =	vmul.u32 $0x30, v59  }
0xfb: {  	v3 =	vand.u32 $0x7, v3  }
0xfc: {  	v3 =	vor.u32 v3, v4  }
0xfd: {  	v4 =	vperm.xlane v3, v0;
	_ =	sdelay $0x1  }
0xfe: {  	v4 =	vadd.s32 v1, v4;
	_ =	sdelay $0x3  }
0xff: {  	v3 =	vperm.xlane v3, v2  }
0x100: {  	[tilespmem:s0], [sflag:$0x1] =	stream.indirect_vreg.gather [hbm4b:s2+s3], $0x80, v4, vm0, $0xb8;
	[tilespmem:$0x18400] =	vst v63  }
0x101: {  	v3 =	vadd.s32 v1, v3  }
0x102: {  	[tilespmem:s1], [sflag:$0x1] =	stream.indirect_vreg.gather [hbm4b:s5+s3], $0x80, v4, vm0, $0xb8;
	[tilespmem:$0x18400] =	vst v63  }
0x103: {  	_ = 	snop  }
0x104: {  	[tilespmem:s11], [sflag:$0x1] =	stream.indirect_vreg.gather [hbm4b:s6+s3], $0x80, v4, vm0, $0xb8;
	[tilespmem:$0x18400] =	vst v63  }
0x105: {  	s18 =	simm.s32 $0xAC00  }
0x106: {  	[tilespmem:s18], [sflag:$0x1] =	stream.indirect_vreg.gather [hbm4b:s2+s3], $0x80, v3, vm0, $0xb8;
	[tilespmem:$0x18400] =	vst v63  }
0x107: {  	s16 =	simm.s32 $0xB400  }
0x108: {  	[tilespmem:s16], [sflag:$0x1] =	stream.indirect_vreg.gather [hbm4b:s5+s3], $0x80, v3, vm0, $0xb8;
	[tilespmem:$0x18400] =	vst v63  }
0x109: {  	s18 =	simm.s32 $0xBC00  }
0x10a: {  	[tilespmem:s18], [sflag:$0x1] =	stream.indirect_vreg.gather [hbm4b:s6+s3], $0x80, v3, vm0, $0xb8;
	[tilespmem:$0x18400] =	vst v63  }
0x10b: {  	_ =	swait.ge [sflag:s7], $0xC000  }
0x10c: {  	s16 =	rddreg [dreg:$0x5];
	[sflag:s7] =	ssyncset.done $0x0  }
0x10d: {  	s18 =	simm.s32 $0xC400;
	[sflag:s7] =	ssyncadd.s32 $0xFFFF4000;
	s14 =	sadd.s32 s13, s16  }
0x10e: {  	[hbm4b:s14+s3] =	stream.linear.scatter [tilespmem:s18], [sflag:$0x4], $0xC000, $0x38;
	[tilespmem:$0x18400] =	vst v63  }
0x10f: {  	_ =	swait.ge [sflag:s10], $0xC000  }
0x110: {  	[sflag:s10] =	ssyncset.done $0x0  }
0x111: {  	[sflag:s10] =	ssyncadd.s32 $0xFFFF4000  }
0x112: {  	v3 =	vld [tilespmem:s12+$0xFFFFFFD0];
	_ =	sdelay $0x4  }
0x113: {  	v60 =	vshrl.u32 v3, $0x3  }
0x114: {  	v4 =	vmul.u32 $0x30, v60  }
0x115: {  	v3 =	vand.u32 $0x7, v3  }
0x116: {  	v3 =	vor.u32 v3, v4  }
0x117: {  	v4 =	vperm.xlane v3, v0;
	_ =	sdelay $0x1  }
0x118: {  	v4 =	vadd.s32 v1, v4;
	_ =	sdelay $0x3  }
0x119: {  	v3 =	vperm.xlane v3, v2  }
0x11a: {  	[tilespmem:s18], [sflag:$0x2] =	stream.indirect_vreg.gather [hbm4b:s2+s3], $0x80, v4, vm0, $0xb8;
	[tilespmem:$0x18400] =	vst v63  }
0x11b: {  	v3 =	vadd.s32 v1, v3;
	s18 =	simm.s32 $0xCC00  }
0x11c: {  	[tilespmem:s18], [sflag:$0x2] =	stream.indirect_vreg.gather [hbm4b:s5+s3], $0x80, v4, vm0, $0xb8;
	[tilespmem:$0x18400] =	vst v63  }
0x11d: {  	s18 =	simm.s32 $0xD400  }
0x11e: {  	[tilespmem:s18], [sflag:$0x2] =	stream.indirect_vreg.gather [hbm4b:s6+s3], $0x80, v4, vm0, $0xb8;
	[tilespmem:$0x18400] =	vst v63  }
0x11f: {  	s18 =	simm.s32 $0xDC00  }
0x120: {  	[tilespmem:s18], [sflag:$0x2] =	stream.indirect_vreg.gather [hbm4b:s2+s3], $0x80, v3, vm0, $0xb8;
	[tilespmem:$0x18400] =	vst v63  }
0x121: {  	s18 =	simm.s32 $0xE400  }
0x122: {  	[tilespmem:s18], [sflag:$0x2] =	stream.indirect_vreg.gather [hbm4b:s5+s3], $0x80, v3, vm0, $0xb8;
	[tilespmem:$0x18400] =	vst v63  }
0x123: {  	s18 =	simm.s32 $0xEC00  }
0x124: {  	[tilespmem:s18], [sflag:$0x2] =	stream.indirect_vreg.gather [hbm4b:s6+s3], $0x80, v3, vm0, $0xb8;
	[tilespmem:$0x18400] =	vst v63  }
0x125: {  	v3 =	vld [tilespmem:s12+$0xFFFFFFE0];
	_ =	sdelay $0x4  }
0x126: {  	v61 =	vshrl.u32 v3, $0x3  }
0x127: {  	v4 =	vmul.u32 $0x30, v61  }
0x128: {  	v3 =	vand.u32 $0x7, v3  }
0x129: {  	v3 =	vor.u32 v3, v4  }
0x12a: {  	v4 =	vperm.xlane v3, v0;
	_ =	sdelay $0x1  }
0x12b: {  	v4 =	vadd.s32 v1, v4;
	_ =	sdelay $0x3  }
0x12c: {  	s18 =	simm.s32 $0xF400;
	v3 =	vperm.xlane v3, v2  }
0x12d: {  	[tilespmem:s18], [sflag:$0x2] =	stream.indirect_vreg.gather [hbm4b:s2+s3], $0x80, v4, vm0, $0xb8;
	[tilespmem:$0x18400] =	vst v63  }
0x12e: {  	v3 =	vadd.s32 v1, v3;
	s18 =	simm.s32 $0xFC00  }
0x12f: {  	[tilespmem:s18], [sflag:$0x2] =	stream.indirect_vreg.gather [hbm4b:s5+s3], $0x80, v4, vm0, $0xb8;
	[tilespmem:$0x18400] =	vst v63  }
0x130: {  	s18 =	simm.s32 $0x10400  }
0x131: {  	[tilespmem:s18], [sflag:$0x2] =	stream.indirect_vreg.gather [hbm4b:s6+s3], $0x80, v4, vm0, $0xb8;
	[tilespmem:$0x18400] =	vst v63  }
0x132: {  	s18 =	simm.s32 $0x10C00  }
0x133: {  	[tilespmem:s18], [sflag:$0x2] =	stream.indirect_vreg.gather [hbm4b:s2+s3], $0x80, v3, vm0, $0xb8;
	[tilespmem:$0x18400] =	vst v63  }
0x134: {  	s18 =	simm.s32 $0x11400  }
0x135: {  	[tilespmem:s18], [sflag:$0x2] =	stream.indirect_vreg.gather [hbm4b:s5+s3], $0x80, v3, vm0, $0xb8;
	[tilespmem:$0x18400] =	vst v63  }
0x136: {  	s18 =	simm.s32 $0x11C00  }
0x137: {  	[tilespmem:s18], [sflag:$0x2] =	stream.indirect_vreg.gather [hbm4b:s6+s3], $0x80, v3, vm0, $0xb8;
	[tilespmem:$0x18400] =	vst v63  }
0x138: {  	v3 =	vld [tilespmem:s12+$0xFFFFFFF0];
	_ =	sdelay $0x4  }
0x139: {  	v62 =	vshrl.u32 v3, $0x3  }
0x13a: {  	v4 =	vmul.u32 $0x30, v62  }
0x13b: {  	v3 =	vand.u32 $0x7, v3  }
0x13c: {  	v3 =	vor.u32 v3, v4  }
0x13d: {  	v4 =	vperm.xlane v3, v0;
	_ =	sdelay $0x1  }
0x13e: {  	v4 =	vadd.s32 v1, v4;
	_ =	sdelay $0x3  }
0x13f: {  	s18 =	simm.s32 $0x12400;
	v3 =	vperm.xlane v3, v2  }
0x140: {  	[tilespmem:s18], [sflag:$0x2] =	stream.indirect_vreg.gather [hbm4b:s2+s3], $0x80, v4, vm0, $0xb8;
	[tilespmem:$0x18400] =	vst v63  }
0x141: {  	v3 =	vadd.s32 v1, v3;
	s18 =	simm.s32 $0x12C00  }
0x142: {  	[tilespmem:s18], [sflag:$0x2] =	stream.indirect_vreg.gather [hbm4b:s5+s3], $0x80, v4, vm0, $0xb8;
	[tilespmem:$0x18400] =	vst v63  }
0x143: {  	s18 =	simm.s32 $0x13400  }
0x144: {  	[tilespmem:s18], [sflag:$0x2] =	stream.indirect_vreg.gather [hbm4b:s6+s3], $0x80, v4, vm0, $0xb8;
	[tilespmem:$0x18400] =	vst v63  }
0x145: {  	s18 =	simm.s32 $0x13C00  }
0x146: {  	[tilespmem:s18], [sflag:$0x2] =	stream.indirect_vreg.gather [hbm4b:s2+s3], $0x80, v3, vm0, $0xb8;
	[tilespmem:$0x18400] =	vst v63  }
0x147: {  	s18 =	simm.s32 $0x14400  }
0x148: {  	[tilespmem:s18], [sflag:$0x2] =	stream.indirect_vreg.gather [hbm4b:s5+s3], $0x80, v3, vm0, $0xb8;
	[tilespmem:$0x18400] =	vst v63  }
0x149: {  	s18 =	simm.s32 $0x14C00  }
0x14a: {  	[tilespmem:s18], [sflag:$0x2] =	stream.indirect_vreg.gather [hbm4b:s6+s3], $0x80, v3, vm0, $0xb8;
	[tilespmem:$0x18400] =	vst v63  }
0x14b: {  	v3 =	vld [tilespmem:s12+$0x0];
	_ =	sdelay $0x4  }
0x14c: {  	v63 =	vshrl.u32 v3, $0x3  }
0x14d: {  	v4 =	vmul.u32 $0x30, v63  }
0x14e: {  	v3 =	vand.u32 $0x7, v3  }
0x14f: {  	v3 =	vor.u32 v3, v4  }
0x150: {  	v4 =	vperm.xlane v3, v0;
	_ =	sdelay $0x1  }
0x151: {  	v4 =	vadd.s32 v1, v4;
	_ =	sdelay $0x3  }
0x152: {  	s18 =	simm.s32 $0x15400;
	v3 =	vperm.xlane v3, v2  }
0x153: {  	[tilespmem:s18], [sflag:$0x2] =	stream.indirect_vreg.gather [hbm4b:s2+s3], $0x80, v4, vm0, $0xb8;
	[tilespmem:$0x18400] =	vst v63  }
0x154: {  	v3 =	vadd.s32 v1, v3;
	s18 =	simm.s32 $0x15C00  }
0x155: {  	[tilespmem:s18], [sflag:$0x2] =	stream.indirect_vreg.gather [hbm4b:s5+s3], $0x80, v4, vm0, $0xb8;
	[tilespmem:$0x18400] =	vst v63  }
0x156: {  	s18 =	simm.s32 $0x16400  }
0x157: {  	[tilespmem:s18], [sflag:$0x2] =	stream.indirect_vreg.gather [hbm4b:s6+s3], $0x80, v4, vm0, $0xb8;
	[tilespmem:$0x18400] =	vst v63  }
0x158: {  	s18 =	simm.s32 $0x16C00  }
0x159: {  	[tilespmem:s18], [sflag:$0x2] =	stream.indirect_vreg.gather [hbm4b:s2+s3], $0x80, v3, vm0, $0xb8;
	[tilespmem:$0x18400] =	vst v63  }
0x15a: {  	s18 =	simm.s32 $0x17400  }
0x15b: {  	[tilespmem:s18], [sflag:$0x2] =	stream.indirect_vreg.gather [hbm4b:s5+s3], $0x80, v3, vm0, $0xb8;
	[tilespmem:$0x18400] =	vst v63  }
0x15c: {  	p0 =	sne.s32 s13, $0x12000;
	s18 =	simm.s32 $0x17C00  }
0x15d: {  	[tilespmem:s18], [sflag:$0x2] =	stream.indirect_vreg.gather [hbm4b:s6+s3], $0x80, v3, vm0, $0xb8;
	[tilespmem:$0x18400] =	vst v63  }
.Ltmp0:
0x15e: {  	_ =	swait.ge [sflag:s4], $0xC000;
	(pc) =	sbr.rel @p0 .LBB2_2-.Ltmp0, $4  }
0x15f: {  	s18 =	rddreg [dreg:$0x4];
	[sflag:s4] =	ssyncset.done $0x0  }
0x160: {  	s16 =	simm.s32 $0xC400;
	[sflag:s4] =	ssyncadd.s32 $0xFFFF4000;
	s14 =	sadd.s32 s13, s18  }
0x161: {  	[hbm4b:s14+s3] =	stream.linear.scatter [tilespmem:s9], [sflag:$0x3], $0xC000, $0x38;
	[tilespmem:$0x18400] =	vst v63  }
0x162: {  	s12 =	sadd.s32 $0x80, s12;
	s13 =	sadd.s32 $0x3000, s13;
	s14 =	simm.s32 $0xC00  }
0x163: {  	_ =	swait.ge [sflag:s7], $0xC000  }
0x164: {  	[sflag:s7] =	ssyncset.done $0x0  }
0x165: {  	[sflag:s7] =	ssyncadd.s32 $0xFFFF4000  }
0x166: {  	_ =	swait.ge [sflag:s8], $0xC000  }
0x167: {  	s13 =	simm.s32 $0x1400;
	[sflag:s8] =	ssyncset.done $0x0  }
0x168: {  	s15 =	simm.s32 $0x1C00;
	s12 =	rddreg [dreg:$0x8];
	[sflag:s8] =	ssyncadd.s32 $0xFFFF4000  }
0x169: {  	[hbm4b:s12+s3] =	stream.linear.scatter [tilespmem:s16], [sflag:$0x4], $0xC000, $0x38;
	[tilespmem:$0x18400] =	vst v63  }
0x16a: {  	s9 =	simm.s32 $0x2400;
	s17 =	simm.s32 $0x2C00;
	_ =	swait.ge [sflag:s10], $0xC000  }
0x16b: {  	s18 =	simm.s32 $0x3400;
	s19 =	simm.s32 $0x3C00;
	s0 =	rddreg [dreg:$0xa]  }
0x16c: {  	s20 =	simm.s32 $0x4400;
	s26 =	rddreg [dreg:$0x9];
	s0 =	sadd.s32 $0x1, s0  }
0x16d: {  	s21 =	simm.s32 $0x4C00;
	s22 =	simm.s32 $0x5400;
	p0 =	sne.s32 s0, s26  }
.Ltmp1:
0x16e: {  	s23 =	simm.s32 $0x5C00;
	s24 =	simm.s32 $0x6400;
	(pc) =	sbr.rel @p0 .LBB2_1-.Ltmp1, $4  }
0x16f: {  	s25 =	simm.s32 $0x6C00;
	s28 =	simm.s32 $0x7C00;
	s29 =	simm.s32 $0x8400  }
0x170: {  	s30 =	simm.s32 $0x8C00;
	s1 =	simm.s32 $0x9C00;
	[sflag:s10] =	ssyncset.done $0x0  }
0x171: {  	s11 =	simm.s32 $0xA400;
	s31 =	simm.s32 $0x400;
	[sflag:s10] =	ssyncadd.s32 $0xFFFF4000  }
0x172: {  	[dreg:$0xa] =	wrdreg s0;
	s26 =	simm.s32 $0x7400;
	s0 =	simm.s32 $0x9400  }
0x173: {  	_ =	sfence.sel $0x180000  }
0x174: {  	[bflag:$0x0] =	sbarrier.arrive $0xFFFF  }
0x175: {  	_ =	strace $0x90000047  }
0x176: {  	s0 =	stileid.u32;
	[bflag:$0x2] =	sbarrier.arrive $0xFFFF  }
0x177: {  	p0 =	sne.s32 s0, $0x0;
	s0 =	rddreg [dreg:$0x3]  }
0x178: {  	s0 =	sadd.s32 @!p0 $0x100000, s0  }
0x179: {  	[sflag:s0] =	ssyncadd.tile.s32 @!p0 $0x1;
	_ =	shalt  }
.Lfunc_end2:
_tile_overlayer_lowered:
.L_overlay_start_2:
0x17a: {  	(tag) =	ssettag $0x2  }
0x17b: {  	s0 =	rddreg [dreg:$0x0];
	s2 =	stileid.u32  }
0x17c: {  	s1 =	rddreg [dreg:$0x1];
	p0 =	sne.s32 s2, $0x0  }
0x17d: {  	s3 =	rddreg [dreg:$0x2];
	[bflag:$0x3] =	sbarrier.arrive $0xFFFF;
	s2 =	simm.s32 @!p0 $0x1C05  }
0x17e: {  	[timem:s3], [sflag:s2] =	dma.local @!p0 [hbm:s0], s1  }
0x17f: {  	s0 =	simm.s32 @!p0 $0x5  }
0x180: {  	_ =	swait.ge @!p0 [sflag:s0], s1  }
0x181: {  	s1 =	ssub.s32 @!p0 $0x0, s1;
	[sflag:s0] =	ssyncset.done @!p0 $0x0  }
0x182: {  	[sflag:s0] =	ssyncadd.s32 @!p0 s1  }
0x183: {  	[bflag:$0x3] =	sbarrier.arrive $0xFFFF  }
0x184: {  	_ =	shalt  }

</sc_bundles>
